<compile_context>
chip_gen: v7x
topology: tpu7x:2x2x1
jax: 0.10.2.dev20260603
libtpu: 0.0.44.dev20260713+nightly
codegen_flags: <defaults>
</compile_context>

<pallas_src>
import functools

import jax
import jax.numpy as jnp
from jax import lax
from jax.experimental import pallas as pl
from jax.experimental.pallas import tpu as pltpu
from jax.experimental.pallas import tpu_sc as plsc

N_REGIMES = 1000
EMBED_DIM = 128
BATCH = 16384

NUM_CORES = 2
NUM_SUBCORES = 16
NUM_WORKERS = NUM_CORES * NUM_SUBCORES
B_PER_W = BATCH // NUM_WORKERS
CHUNKS = ((0, 32), (32, 160), (192, 160), (352, 160))


def _build():
    mesh = plsc.VectorSubcoreMesh(core_axis_name="c", subcore_axis_name="s")

    @functools.partial(
        pl.kernel,
        mesh=mesh,
        out_type=jax.ShapeDtypeStruct((BATCH, EMBED_DIM), jnp.float32),
        scratch_types=[
            pltpu.VMEM((B_PER_W,), jnp.int32),
            pltpu.VMEM((B_PER_W, EMBED_DIM), jnp.float32),
            pltpu.VMEM_SHARED((N_REGIMES, EMBED_DIM), jnp.float32),
            pltpu.SemaphoreType.DMA,
            pltpu.SemaphoreType.DMA,
        ],
    )
    def gather_kernel(idx_hbm, table_hbm, out_hbm, idx_v, rows_v, table_sh,
                      gsem, wsem):
        s = lax.axis_index("s")
        wid = s * NUM_CORES + lax.axis_index("c")
        base = wid * B_PER_W
        idx_cp = pltpu.async_copy(idx_hbm.at[pl.ds(base, B_PER_W)], idx_v,
                                  wsem)
        @pl.when(s == 0)
        def _():
            pltpu.sync_copy(table_hbm, table_sh)
        plsc.subcore_barrier()
        idx_cp.wait()
        gathers = [
            pltpu.async_copy(
                table_sh.at[idx_v.at[pl.ds(off, n)]],
                rows_v.at[pl.ds(off, n)], gsem)
            for off, n in CHUNKS
        ]
        writes = []
        for cp, (off, n) in zip(gathers, CHUNKS):
            cp.wait()
            writes.append(
                pltpu.async_copy(
                    rows_v.at[pl.ds(off, n)],
                    out_hbm.at[pl.ds(base + off, n)], wsem))
        for w in writes:
            w.wait()

    return gather_kernel


_GATHER = _build()


@jax.jit
def kernel(regime_ids, embedding_weight):
    return _GATHER(regime_ids.astype(jnp.int32), embedding_weight)

# --- scband reference (transcript-rebuilt; emitter-appended) ---
"""Pipeline reference for scband-regime-embedding-39754217291801 (READ-ONLY COPY).

The authoritative reference and input builder live on the scoring server;
editing this copy changes nothing except your own understanding.
"""

import jax, jax.numpy as jnp
import numpy as np

N_REGIMES = 1000
EMBED_DIM = 128
BATCH = 16384

def setup_inputs(seed: int = 0) -> dict:
    key = jax.random.key(seed)
    k_idx, k_emb = jax.random.split(key)
    regime_ids = jax.random.randint(k_idx, (BATCH,), 0, N_REGIMES, dtype=jnp.int64 if jax.config.jax_enable_x64 else jnp.int32)
    # nn.Embedding default init: N(0, 1)
    embedding_weight = jax.random.normal(k_emb, (N_REGIMES, EMBED_DIM), dtype=jnp.float32)
    return {"regime_ids": regime_ids, "embedding_weight": embedding_weight}

def reference(regime_ids, embedding_weight):
    # Equivalent of nn.Embedding forward: gather rows by index
    return jnp.take(embedding_weight, regime_ids, axis=0)

if __name__ == "__main__":
    import jax
    _d = setup_inputs()
    print(jax.jit(kernel)(*tuple(_d.values())))

</pallas_src>

<mosaic_0001>
#map = affine_map<(d0, d1) -> (0)>
#map1 = affine_map<(d0, d1) -> (0, 0)>
module attributes {stable_mosaic.version = 14 : i64} {
  func.func @gather_kernel(%arg0: i32, %arg1: i32, %arg2: memref<16384xi32, #tpu.memory_space<hbm>>, %arg3: memref<1000x128xf32, #tpu.memory_space<hbm>>, %arg4: memref<16384x128xf32, #tpu.memory_space<hbm>>, %arg5: memref<512xi32, #tpu.memory_space<vmem>>, %arg6: memref<512x128xf32, #tpu.memory_space<vmem>>, %arg7: memref<1000x128xf32, #tpu.memory_space<vmem_shared>>, %arg8: memref<!tpu.dma_semaphore, #tpu.memory_space<semaphore_mem>>, %arg9: memref<!tpu.dma_semaphore, #tpu.memory_space<semaphore_mem>>) attributes {dimension_semantics = [#tpu.dimension_semantics<core_parallel>, #tpu.dimension_semantics<subcore_parallel>], iteration_bounds = array<i64: 2, 16>, scalar_prefetch = 0 : i64, scratch_operands = 5 : i64, tpu.core_type = #tpu.core_type<sc_vector_subcore>, window_params = [{transform_indices = #map}, {transform_indices = #map1}, {transform_indices = #map1}]} {
    %mul3A = arith.constant 2 : i32
    %mul3A_0 = arith.muli %arg1, %mul3A : i32
    %add3A = arith.addi %mul3A_0, %arg0 : i32
    %mul3A_1 = arith.constant 512 : i32
    %mul3A_2 = arith.muli %add3A, %mul3A_1 : i32
    %dma_start3A = tpu.memref_slice %arg2[%mul3A_2] : memref<16384xi32, #tpu.memory_space<hbm>> -> memref<512xi32, #tpu.memory_space<hbm>>
    %dma_start3A_3 = tpu.memref_slice %arg2[%mul3A_2] : memref<16384xi32, #tpu.memory_space<hbm>> -> memref<512xi32, #tpu.memory_space<hbm>>
    tpu.enqueue_dma source(%dma_start3A_3 : memref<512xi32, #tpu.memory_space<hbm>>) target(%arg5 : memref<512xi32, #tpu.memory_space<vmem>>) target_semaphore(%arg9 : memref<!tpu.dma_semaphore, #tpu.memory_space<semaphore_mem>>)
    %eq3A = arith.constant 0 : i32
    %eq3A_4 = arith.cmpi eq, %arg1, %eq3A : i32
    %convert_element_type3A = arith.extui %eq3A_4 : i1 to i32
    %cond3A = arith.constant 0 : i32
    %cond3A_5 = arith.cmpi ne, %convert_element_type3A, %cond3A : i32
    scf.if %cond3A_5 {
      "tpu.region"() ({
        %run_scoped3A = tpu.sem_alloc : memref<!tpu.dma_semaphore, #tpu.memory_space<semaphore_mem>>
        tpu.enqueue_dma source(%arg3 : memref<1000x128xf32, #tpu.memory_space<hbm>>) target(%arg7 : memref<1000x128xf32, #tpu.memory_space<vmem_shared>>) target_semaphore(%run_scoped3A : memref<!tpu.dma_semaphore, #tpu.memory_space<semaphore_mem>>)
        tpu.wait_dma2 semaphore(%run_scoped3A : memref<!tpu.dma_semaphore, #tpu.memory_space<semaphore_mem>>) src(%arg3 : memref<1000x128xf32, #tpu.memory_space<hbm>>) dst(%arg7 : memref<1000x128xf32, #tpu.memory_space<vmem_shared>>)
        tpu.yield
      }) : () -> ()
    } else {
    }
    %barrier3A = arith.constant 0 : index
    tpu.barrier barrier_id(%barrier3A)
    %dma_wait3A = tpu.memref_slice %arg2[%mul3A_2] : memref<16384xi32, #tpu.memory_space<hbm>> -> memref<512xi32, #tpu.memory_space<hbm>>
    %dma_wait3A_6 = tpu.memref_slice %arg2[%mul3A_2] : memref<16384xi32, #tpu.memory_space<hbm>> -> memref<512xi32, #tpu.memory_space<hbm>>
    tpu.wait_dma2 semaphore(%arg9 : memref<!tpu.dma_semaphore, #tpu.memory_space<semaphore_mem>>) src(%dma_wait3A_6 : memref<512xi32, #tpu.memory_space<hbm>>) dst(%arg5 : memref<512xi32, #tpu.memory_space<vmem>>)
    %dma_start3A_7 = arith.constant 0 : i32
    %dma_start3A_8 = arith.constant 0 : i32
    %dma_start3A_9 = tpu.memref_slice %arg6[%dma_start3A_7, %dma_start3A_8] : memref<512x128xf32, #tpu.memory_space<vmem>> -> memref<32x128xf32, #tpu.memory_space<vmem>>
    %dma_start3A_10 = arith.constant 0 : i32
    %dma_start3A_11 = tpu.memref_slice %arg5[%dma_start3A_10] : memref<512xi32, #tpu.memory_space<vmem>> -> memref<32xi32, #tpu.memory_space<vmem>>
    %dma_start3A_12 = arith.constant 0 : i32
    %dma_start3A_13 = arith.constant 0 : i32
    %dma_start3A_14 = tpu.memref_slice %arg7[%dma_start3A_12, %dma_start3A_13] : memref<1000x128xf32, #tpu.memory_space<vmem_shared>> -> memref<1000x128xf32, #tpu.memory_space<vmem_shared>>
    tpu.enqueue_indirect_dma source(%dma_start3A_14 : memref<1000x128xf32, #tpu.memory_space<vmem_shared>>) target(%dma_start3A_9 : memref<32x128xf32, #tpu.memory_space<vmem>>) offsets(%dma_start3A_11 : memref<32xi32, #tpu.memory_space<vmem>>) semaphore(%arg8 : memref<!tpu.dma_semaphore, #tpu.memory_space<semaphore_mem>>)
    %dma_start3A_15 = arith.constant 32 : i32
    %dma_start3A_16 = arith.constant 0 : i32
    %dma_start3A_17 = tpu.memref_slice %arg6[%dma_start3A_15, %dma_start3A_16] : memref<512x128xf32, #tpu.memory_space<vmem>> -> memref<160x128xf32, #tpu.memory_space<vmem>>
    %dma_start3A_18 = arith.constant 32 : i32
    %dma_start3A_19 = tpu.memref_slice %arg5[%dma_start3A_18] : memref<512xi32, #tpu.memory_space<vmem>> -> memref<160xi32, #tpu.memory_space<vmem>>
    %dma_start3A_20 = arith.constant 0 : i32
    %dma_start3A_21 = arith.constant 0 : i32
    %dma_start3A_22 = tpu.memref_slice %arg7[%dma_start3A_20, %dma_start3A_21] : memref<1000x128xf32, #tpu.memory_space<vmem_shared>> -> memref<1000x128xf32, #tpu.memory_space<vmem_shared>>
    tpu.enqueue_indirect_dma source(%dma_start3A_22 : memref<1000x128xf32, #tpu.memory_space<vmem_shared>>) target(%dma_start3A_17 : memref<160x128xf32, #tpu.memory_space<vmem>>) offsets(%dma_start3A_19 : memref<160xi32, #tpu.memory_space<vmem>>) semaphore(%arg8 : memref<!tpu.dma_semaphore, #tpu.memory_space<semaphore_mem>>)
    %dma_start3A_23 = arith.constant 192 : i32
    %dma_start3A_24 = arith.constant 0 : i32
    %dma_start3A_25 = tpu.memref_slice %arg6[%dma_start3A_23, %dma_start3A_24] : memref<512x128xf32, #tpu.memory_space<vmem>> -> memref<160x128xf32, #tpu.memory_space<vmem>>
    %dma_start3A_26 = arith.constant 192 : i32
    %dma_start3A_27 = tpu.memref_slice %arg5[%dma_start3A_26] : memref<512xi32, #tpu.memory_space<vmem>> -> memref<160xi32, #tpu.memory_space<vmem>>
    %dma_start3A_28 = arith.constant 0 : i32
    %dma_start3A_29 = arith.constant 0 : i32
    %dma_start3A_30 = tpu.memref_slice %arg7[%dma_start3A_28, %dma_start3A_29] : memref<1000x128xf32, #tpu.memory_space<vmem_shared>> -> memref<1000x128xf32, #tpu.memory_space<vmem_shared>>
    tpu.enqueue_indirect_dma source(%dma_start3A_30 : memref<1000x128xf32, #tpu.memory_space<vmem_shared>>) target(%dma_start3A_25 : memref<160x128xf32, #tpu.memory_space<vmem>>) offsets(%dma_start3A_27 : memref<160xi32, #tpu.memory_space<vmem>>) semaphore(%arg8 : memref<!tpu.dma_semaphore, #tpu.memory_space<semaphore_mem>>)
    %dma_start3A_31 = arith.constant 352 : i32
    %dma_start3A_32 = arith.constant 0 : i32
    %dma_start3A_33 = tpu.memref_slice %arg6[%dma_start3A_31, %dma_start3A_32] : memref<512x128xf32, #tpu.memory_space<vmem>> -> memref<160x128xf32, #tpu.memory_space<vmem>>
    %dma_start3A_34 = arith.constant 352 : i32
    %dma_start3A_35 = tpu.memref_slice %arg5[%dma_start3A_34] : memref<512xi32, #tpu.memory_space<vmem>> -> memref<160xi32, #tpu.memory_space<vmem>>
    %dma_start3A_36 = arith.constant 0 : i32
    %dma_start3A_37 = arith.constant 0 : i32
    %dma_start3A_38 = tpu.memref_slice %arg7[%dma_start3A_36, %dma_start3A_37] : memref<1000x128xf32, #tpu.memory_space<vmem_shared>> -> memref<1000x128xf32, #tpu.memory_space<vmem_shared>>
    tpu.enqueue_indirect_dma source(%dma_start3A_38 : memref<1000x128xf32, #tpu.memory_space<vmem_shared>>) target(%dma_start3A_33 : memref<160x128xf32, #tpu.memory_space<vmem>>) offsets(%dma_start3A_35 : memref<160xi32, #tpu.memory_space<vmem>>) semaphore(%arg8 : memref<!tpu.dma_semaphore, #tpu.memory_space<semaphore_mem>>)
    %dma_wait3A_39 = arith.constant 0 : i32
    %dma_wait3A_40 = arith.constant 0 : i32
    %dma_wait3A_41 = tpu.memref_slice %arg6[%dma_wait3A_39, %dma_wait3A_40] : memref<512x128xf32, #tpu.memory_space<vmem>> -> memref<32x128xf32, #tpu.memory_space<vmem>>
    %dma_wait3A_42 = arith.constant 0 : i32
    %dma_wait3A_43 = tpu.memref_slice %arg5[%dma_wait3A_42] : memref<512xi32, #tpu.memory_space<vmem>> -> memref<32xi32, #tpu.memory_space<vmem>>
    %dma_wait3A_44 = arith.constant 0 : i32
    %dma_wait3A_45 = arith.constant 0 : i32
    %dma_wait3A_46 = tpu.memref_slice %arg7[%dma_wait3A_44, %dma_wait3A_45] : memref<1000x128xf32, #tpu.memory_space<vmem_shared>> -> memref<1000x128xf32, #tpu.memory_space<vmem_shared>>
    tpu.wait_indirect_dma semaphore(%arg8 : memref<!tpu.dma_semaphore, #tpu.memory_space<semaphore_mem>>) src(%dma_wait3A_46 : memref<1000x128xf32, #tpu.memory_space<vmem_shared>>) dst(%dma_wait3A_41 : memref<32x128xf32, #tpu.memory_space<vmem>>)
    %add3A_47 = arith.constant 0 : i32
    %add3A_48 = arith.addi %mul3A_2, %add3A_47 : i32
    %dma_start3A_49 = arith.constant 0 : i32
    %dma_start3A_50 = arith.constant 0 : i32
    %dma_start3A_51 = tpu.memref_slice %arg6[%dma_start3A_49, %dma_start3A_50] : memref<512x128xf32, #tpu.memory_space<vmem>> -> memref<32x128xf32, #tpu.memory_space<vmem>>
    %dma_start3A_52 = arith.constant 0 : i32
    %dma_start3A_53 = tpu.memref_slice %arg4[%add3A_48, %dma_start3A_52] : memref<16384x128xf32, #tpu.memory_space<hbm>> -> memref<32x128xf32, #tpu.memory_space<hbm>>
    %dma_start3A_54 = arith.constant 0 : i32
    %dma_start3A_55 = tpu.memref_slice %arg4[%add3A_48, %dma_start3A_54] : memref<16384x128xf32, #tpu.memory_space<hbm>> -> memref<32x128xf32, #tpu.memory_space<hbm>>
    %dma_start3A_56 = arith.constant 0 : i32
    %dma_start3A_57 = arith.constant 0 : i32
    %dma_start3A_58 = tpu.memref_slice %arg6[%dma_start3A_56, %dma_start3A_57] : memref<512x128xf32, #tpu.memory_space<vmem>> -> memref<32x128xf32, #tpu.memory_space<vmem>>
    tpu.enqueue_dma source(%dma_start3A_58 : memref<32x128xf32, #tpu.memory_space<vmem>>) target(%dma_start3A_55 : memref<32x128xf32, #tpu.memory_space<hbm>>) target_semaphore(%arg9 : memref<!tpu.dma_semaphore, #tpu.memory_space<semaphore_mem>>)
    %dma_wait3A_59 = arith.constant 32 : i32
    %dma_wait3A_60 = arith.constant 0 : i32
    %dma_wait3A_61 = tpu.memref_slice %arg6[%dma_wait3A_59, %dma_wait3A_60] : memref<512x128xf32, #tpu.memory_space<vmem>> -> memref<160x128xf32, #tpu.memory_space<vmem>>
    %dma_wait3A_62 = arith.constant 32 : i32
    %dma_wait3A_63 = tpu.memref_slice %arg5[%dma_wait3A_62] : memref<512xi32, #tpu.memory_space<vmem>> -> memref<160xi32, #tpu.memory_space<vmem>>
    %dma_wait3A_64 = arith.constant 0 : i32
    %dma_wait3A_65 = arith.constant 0 : i32
    %dma_wait3A_66 = tpu.memref_slice %arg7[%dma_wait3A_64, %dma_wait3A_65] : memref<1000x128xf32, #tpu.memory_space<vmem_shared>> -> memref<1000x128xf32, #tpu.memory_space<vmem_shared>>
    tpu.wait_indirect_dma semaphore(%arg8 : memref<!tpu.dma_semaphore, #tpu.memory_space<semaphore_mem>>) src(%dma_wait3A_66 : memref<1000x128xf32, #tpu.memory_space<vmem_shared>>) dst(%dma_wait3A_61 : memref<160x128xf32, #tpu.memory_space<vmem>>)
    %add3A_67 = arith.constant 32 : i32
    %add3A_68 = arith.addi %mul3A_2, %add3A_67 : i32
    %dma_start3A_69 = arith.constant 32 : i32
    %dma_start3A_70 = arith.constant 0 : i32
    %dma_start3A_71 = tpu.memref_slice %arg6[%dma_start3A_69, %dma_start3A_70] : memref<512x128xf32, #tpu.memory_space<vmem>> -> memref<160x128xf32, #tpu.memory_space<vmem>>
    %dma_start3A_72 = arith.constant 0 : i32
    %dma_start3A_73 = tpu.memref_slice %arg4[%add3A_68, %dma_start3A_72] : memref<16384x128xf32, #tpu.memory_space<hbm>> -> memref<160x128xf32, #tpu.memory_space<hbm>>
    %dma_start3A_74 = arith.constant 0 : i32
    %dma_start3A_75 = tpu.memref_slice %arg4[%add3A_68, %dma_start3A_74] : memref<16384x128xf32, #tpu.memory_space<hbm>> -> memref<160x128xf32, #tpu.memory_space<hbm>>
    %dma_start3A_76 = arith.constant 32 : i32
    %dma_start3A_77 = arith.constant 0 : i32
    %dma_start3A_78 = tpu.memref_slice %arg6[%dma_start3A_76, %dma_start3A_77] : memref<512x128xf32, #tpu.memory_space<vmem>> -> memref<160x128xf32, #tpu.memory_space<vmem>>
    tpu.enqueue_dma source(%dma_start3A_78 : memref<160x128xf32, #tpu.memory_space<vmem>>) target(%dma_start3A_75 : memref<160x128xf32, #tpu.memory_space<hbm>>) target_semaphore(%arg9 : memref<!tpu.dma_semaphore, #tpu.memory_space<semaphore_mem>>)
    %dma_wait3A_79 = arith.constant 192 : i32
    %dma_wait3A_80 = arith.constant 0 : i32
    %dma_wait3A_81 = tpu.memref_slice %arg6[%dma_wait3A_79, %dma_wait3A_80] : memref<512x128xf32, #tpu.memory_space<vmem>> -> memref<160x128xf32, #tpu.memory_space<vmem>>
    %dma_wait3A_82 = arith.constant 192 : i32
    %dma_wait3A_83 = tpu.memref_slice %arg5[%dma_wait3A_82] : memref<512xi32, #tpu.memory_space<vmem>> -> memref<160xi32, #tpu.memory_space<vmem>>
    %dma_wait3A_84 = arith.constant 0 : i32
    %dma_wait3A_85 = arith.constant 0 : i32
    %dma_wait3A_86 = tpu.memref_slice %arg7[%dma_wait3A_84, %dma_wait3A_85] : memref<1000x128xf32, #tpu.memory_space<vmem_shared>> -> memref<1000x128xf32, #tpu.memory_space<vmem_shared>>
    tpu.wait_indirect_dma semaphore(%arg8 : memref<!tpu.dma_semaphore, #tpu.memory_space<semaphore_mem>>) src(%dma_wait3A_86 : memref<1000x128xf32, #tpu.memory_space<vmem_shared>>) dst(%dma_wait3A_81 : memref<160x128xf32, #tpu.memory_space<vmem>>)
    %add3A_87 = arith.constant 192 : i32
    %add3A_88 = arith.addi %mul3A_2, %add3A_87 : i32
    %dma_start3A_89 = arith.constant 192 : i32
    %dma_start3A_90 = arith.constant 0 : i32
    %dma_start3A_91 = tpu.memref_slice %arg6[%dma_start3A_89, %dma_start3A_90] : memref<512x128xf32, #tpu.memory_space<vmem>> -> memref<160x128xf32, #tpu.memory_space<vmem>>
    %dma_start3A_92 = arith.constant 0 : i32
    %dma_start3A_93 = tpu.memref_slice %arg4[%add3A_88, %dma_start3A_92] : memref<16384x128xf32, #tpu.memory_space<hbm>> -> memref<160x128xf32, #tpu.memory_space<hbm>>
    %dma_start3A_94 = arith.constant 0 : i32
    %dma_start3A_95 = tpu.memref_slice %arg4[%add3A_88, %dma_start3A_94] : memref<16384x128xf32, #tpu.memory_space<hbm>> -> memref<160x128xf32, #tpu.memory_space<hbm>>
    %dma_start3A_96 = arith.constant 192 : i32
    %dma_start3A_97 = arith.constant 0 : i32
    %dma_start3A_98 = tpu.memref_slice %arg6[%dma_start3A_96, %dma_start3A_97] : memref<512x128xf32, #tpu.memory_space<vmem>> -> memref<160x128xf32, #tpu.memory_space<vmem>>
    tpu.enqueue_dma source(%dma_start3A_98 : memref<160x128xf32, #tpu.memory_space<vmem>>) target(%dma_start3A_95 : memref<160x128xf32, #tpu.memory_space<hbm>>) target_semaphore(%arg9 : memref<!tpu.dma_semaphore, #tpu.memory_space<semaphore_mem>>)
    %dma_wait3A_99 = arith.constant 352 : i32
    %dma_wait3A_100 = arith.constant 0 : i32
    %dma_wait3A_101 = tpu.memref_slice %arg6[%dma_wait3A_99, %dma_wait3A_100] : memref<512x128xf32, #tpu.memory_space<vmem>> -> memref<160x128xf32, #tpu.memory_space<vmem>>
    %dma_wait3A_102 = arith.constant 352 : i32
    %dma_wait3A_103 = tpu.memref_slice %arg5[%dma_wait3A_102] : memref<512xi32, #tpu.memory_space<vmem>> -> memref<160xi32, #tpu.memory_space<vmem>>
    %dma_wait3A_104 = arith.constant 0 : i32
    %dma_wait3A_105 = arith.constant 0 : i32
    %dma_wait3A_106 = tpu.memref_slice %arg7[%dma_wait3A_104, %dma_wait3A_105] : memref<1000x128xf32, #tpu.memory_space<vmem_shared>> -> memref<1000x128xf32, #tpu.memory_space<vmem_shared>>
    tpu.wait_indirect_dma semaphore(%arg8 : memref<!tpu.dma_semaphore, #tpu.memory_space<semaphore_mem>>) src(%dma_wait3A_106 : memref<1000x128xf32, #tpu.memory_space<vmem_shared>>) dst(%dma_wait3A_101 : memref<160x128xf32, #tpu.memory_space<vmem>>)
    %add3A_107 = arith.constant 352 : i32
    %add3A_108 = arith.addi %mul3A_2, %add3A_107 : i32
    %dma_start3A_109 = arith.constant 352 : i32
    %dma_start3A_110 = arith.constant 0 : i32
    %dma_start3A_111 = tpu.memref_slice %arg6[%dma_start3A_109, %dma_start3A_110] : memref<512x128xf32, #tpu.memory_space<vmem>> -> memref<160x128xf32, #tpu.memory_space<vmem>>
    %dma_start3A_112 = arith.constant 0 : i32
    %dma_start3A_113 = tpu.memref_slice %arg4[%add3A_108, %dma_start3A_112] : memref<16384x128xf32, #tpu.memory_space<hbm>> -> memref<160x128xf32, #tpu.memory_space<hbm>>
    %dma_start3A_114 = arith.constant 0 : i32
    %dma_start3A_115 = tpu.memref_slice %arg4[%add3A_108, %dma_start3A_114] : memref<16384x128xf32, #tpu.memory_space<hbm>> -> memref<160x128xf32, #tpu.memory_space<hbm>>
    %dma_start3A_116 = arith.constant 352 : i32
    %dma_start3A_117 = arith.constant 0 : i32
    %dma_start3A_118 = tpu.memref_slice %arg6[%dma_start3A_116, %dma_start3A_117] : memref<512x128xf32, #tpu.memory_space<vmem>> -> memref<160x128xf32, #tpu.memory_space<vmem>>
    tpu.enqueue_dma source(%dma_start3A_118 : memref<160x128xf32, #tpu.memory_space<vmem>>) target(%dma_start3A_115 : memref<160x128xf32, #tpu.memory_space<hbm>>) target_semaphore(%arg9 : memref<!tpu.dma_semaphore, #tpu.memory_space<semaphore_mem>>)
    %dma_wait3A_119 = arith.constant 0 : i32
    %dma_wait3A_120 = arith.constant 0 : i32
    %dma_wait3A_121 = tpu.memref_slice %arg6[%dma_wait3A_119, %dma_wait3A_120] : memref<512x128xf32, #tpu.memory_space<vmem>> -> memref<32x128xf32, #tpu.memory_space<vmem>>
    %dma_wait3A_122 = arith.constant 0 : i32
    %dma_wait3A_123 = tpu.memref_slice %arg4[%add3A_48, %dma_wait3A_122] : memref<16384x128xf32, #tpu.memory_space<hbm>> -> memref<32x128xf32, #tpu.memory_space<hbm>>
    %dma_wait3A_124 = arith.constant 0 : i32
    %dma_wait3A_125 = tpu.memref_slice %arg4[%add3A_48, %dma_wait3A_124] : memref<16384x128xf32, #tpu.memory_space<hbm>> -> memref<32x128xf32, #tpu.memory_space<hbm>>
    %dma_wait3A_126 = arith.constant 0 : i32
    %dma_wait3A_127 = arith.constant 0 : i32
    %dma_wait3A_128 = tpu.memref_slice %arg6[%dma_wait3A_126, %dma_wait3A_127] : memref<512x128xf32, #tpu.memory_space<vmem>> -> memref<32x128xf32, #tpu.memory_space<vmem>>
    tpu.wait_dma2 semaphore(%arg9 : memref<!tpu.dma_semaphore, #tpu.memory_space<semaphore_mem>>) src(%dma_wait3A_128 : memref<32x128xf32, #tpu.memory_space<vmem>>) dst(%dma_wait3A_125 : memref<32x128xf32, #tpu.memory_space<hbm>>)
    %dma_wait3A_129 = arith.constant 32 : i32
    %dma_wait3A_130 = arith.constant 0 : i32
    %dma_wait3A_131 = tpu.memref_slice %arg6[%dma_wait3A_129, %dma_wait3A_130] : memref<512x128xf32, #tpu.memory_space<vmem>> -> memref<160x128xf32, #tpu.memory_space<vmem>>
    %dma_wait3A_132 = arith.constant 0 : i32
    %dma_wait3A_133 = tpu.memref_slice %arg4[%add3A_68, %dma_wait3A_132] : memref<16384x128xf32, #tpu.memory_space<hbm>> -> memref<160x128xf32, #tpu.memory_space<hbm>>
    %dma_wait3A_134 = arith.constant 0 : i32
    %dma_wait3A_135 = tpu.memref_slice %arg4[%add3A_68, %dma_wait3A_134] : memref<16384x128xf32, #tpu.memory_space<hbm>> -> memref<160x128xf32, #tpu.memory_space<hbm>>
    %dma_wait3A_136 = arith.constant 32 : i32
    %dma_wait3A_137 = arith.constant 0 : i32
    %dma_wait3A_138 = tpu.memref_slice %arg6[%dma_wait3A_136, %dma_wait3A_137] : memref<512x128xf32, #tpu.memory_space<vmem>> -> memref<160x128xf32, #tpu.memory_space<vmem>>
    tpu.wait_dma2 semaphore(%arg9 : memref<!tpu.dma_semaphore, #tpu.memory_space<semaphore_mem>>) src(%dma_wait3A_138 : memref<160x128xf32, #tpu.memory_space<vmem>>) dst(%dma_wait3A_135 : memref<160x128xf32, #tpu.memory_space<hbm>>)
    %dma_wait3A_139 = arith.constant 192 : i32
    %dma_wait3A_140 = arith.constant 0 : i32
    %dma_wait3A_141 = tpu.memref_slice %arg6[%dma_wait3A_139, %dma_wait3A_140] : memref<512x128xf32, #tpu.memory_space<vmem>> -> memref<160x128xf32, #tpu.memory_space<vmem>>
    %dma_wait3A_142 = arith.constant 0 : i32
    %dma_wait3A_143 = tpu.memref_slice %arg4[%add3A_88, %dma_wait3A_142] : memref<16384x128xf32, #tpu.memory_space<hbm>> -> memref<160x128xf32, #tpu.memory_space<hbm>>
    %dma_wait3A_144 = arith.constant 0 : i32
    %dma_wait3A_145 = tpu.memref_slice %arg4[%add3A_88, %dma_wait3A_144] : memref<16384x128xf32, #tpu.memory_space<hbm>> -> memref<160x128xf32, #tpu.memory_space<hbm>>
    %dma_wait3A_146 = arith.constant 192 : i32
    %dma_wait3A_147 = arith.constant 0 : i32
    %dma_wait3A_148 = tpu.memref_slice %arg6[%dma_wait3A_146, %dma_wait3A_147] : memref<512x128xf32, #tpu.memory_space<vmem>> -> memref<160x128xf32, #tpu.memory_space<vmem>>
    tpu.wait_dma2 semaphore(%arg9 : memref<!tpu.dma_semaphore, #tpu.memory_space<semaphore_mem>>) src(%dma_wait3A_148 : memref<160x128xf32, #tpu.memory_space<vmem>>) dst(%dma_wait3A_145 : memref<160x128xf32, #tpu.memory_space<hbm>>)
    %dma_wait3A_149 = arith.constant 352 : i32
    %dma_wait3A_150 = arith.constant 0 : i32
    %dma_wait3A_151 = tpu.memref_slice %arg6[%dma_wait3A_149, %dma_wait3A_150] : memref<512x128xf32, #tpu.memory_space<vmem>> -> memref<160x128xf32, #tpu.memory_space<vmem>>
    %dma_wait3A_152 = arith.constant 0 : i32
    %dma_wait3A_153 = tpu.memref_slice %arg4[%add3A_108, %dma_wait3A_152] : memref<16384x128xf32, #tpu.memory_space<hbm>> -> memref<160x128xf32, #tpu.memory_space<hbm>>
    %dma_wait3A_154 = arith.constant 0 : i32
    %dma_wait3A_155 = tpu.memref_slice %arg4[%add3A_108, %dma_wait3A_154] : memref<16384x128xf32, #tpu.memory_space<hbm>> -> memref<160x128xf32, #tpu.memory_space<hbm>>
    %dma_wait3A_156 = arith.constant 352 : i32
    %dma_wait3A_157 = arith.constant 0 : i32
    %dma_wait3A_158 = tpu.memref_slice %arg6[%dma_wait3A_156, %dma_wait3A_157] : memref<512x128xf32, #tpu.memory_space<vmem>> -> memref<160x128xf32, #tpu.memory_space<vmem>>
    tpu.wait_dma2 semaphore(%arg9 : memref<!tpu.dma_semaphore, #tpu.memory_space<semaphore_mem>>) src(%dma_wait3A_158 : memref<160x128xf32, #tpu.memory_space<vmem>>) dst(%dma_wait3A_155 : memref<160x128xf32, #tpu.memory_space<hbm>>)
    return
  }
}

</mosaic_0001>

<sc_bundles>
// kernel: kernel.3.cloned.1.call-start
scs
__scs_entry_jumppad:
0x0: {  	(pc) =	sbr.rel $0x88, $3  }
0x1: {  	(tag) =	ssettag $0x0;
	lr =	simm.s32 $0x1  }
0x2: {  	[smem:$0x3F9F] =	sst lr;
	_ =	strace $0xD0000000  }
0x3: {  	_ = 	snop  }
0x4: {  	_ = 	snop  }
0x5: {  	_ = 	snop  }
0x6: {  	_ = 	snop  }
0x7: {  	_ = 	snop  }
__scs_overlays_trampoline_lowered:
0x8: {  	[smem:$0x3FAE] =	sst s0  }
0x9: {  	[smem:$0x3FAF] =	sst s1  }
0xa: {  	[smem:$0x3FB0] =	sst s2  }
0xb: {  	[smem:$0x3FB1] =	sst s3  }
0xc: {  	[smem:$0x3FB2] =	sst s4  }
0xd: {  	[smem:$0x3FB3] =	sst s5  }
0xe: {  	[smem:$0x3FB4] =	sst s6  }
0xf: {  	[smem:$0x3FB5] =	sst s7  }
0x10: {  	[smem:$0x3FB6] =	sst s8  }
0x11: {  	[smem:$0x3FB7] =	sst s9;
	s0 =	simm.s32 @!p0 $0x0  }
0x12: {  	s1 =	sld [smem:$0x3F9D];
	s0 =	simm.s32 @p0 $0x1  }
0x13: {  	[smem:$0x3FB8] =	sst s0;
	s0 =	simm.s32 @!p1 $0x0  }
0x14: {  	s2 =	sld [smem:$0x3F9C];
	s0 =	simm.s32 @p1 $0x1  }
0x15: {  	[smem:$0x3FB9] =	sst s0;
	s0 =	simm.s32 @!p2 $0x0  }
0x16: {  	s3 =	sld [smem:$0x3FDB];
	s0 =	simm.s32 @p2 $0x1  }
0x17: {  	s4 =	simm.s32 $0x1BF5;
	[smem:$0x3FBB] =	sst s0  }
0x18: {  	s0 =	sld [smem:$0x3F9E];
	_ =	swait.ge [sflag:s4], $0x0  }
0x19: {  	s7 =	sld [smem:$0x3F9F]  }
0x1a: {  	s8 =	sadd.s32 $0xFFFFE003, lr  }
0x1b: {  	s9 =	sadd.s32 $0xFFFFFEF7, lr;
	s5 =	simm.s32 $0xFFFFFFFF;
	p2 =	slt.u32 s8, $0xFFFFF086  }
0x1c: {  	p1 =	slt.u32 s9, $0xF7A;
	s5 =	simm.s32 @!p2 $0x0  }
0x1d: {  	s5 =	simm.s32 @p1 $0x1;
	p0 =	seq.s32 s7, s2  }
0x1e: {  	s7 =	smul.u32 @!p0 $0xF7A, s2;
	p2 =	seq.s32 @!p0 s5, $0x0  }
0x1f: {  	s9 =	smul.u32 $0xF7A, s1;
	s8 =	simm.s32 @!p0 $0x1BF5;
	p2 =	por !p2, p0  }
0x20: {  	[sflag:s8] =	ssyncset.s32 @!p0 $0xFFFFF086;
	s6 =	sadd.s32 @!p0 s3, s7;
	s7 =	simm.s32 @!p0 $0x108  }
0x21: {  	s3 =	sadd.s32 s3, s9;
	s6 =	sadd.s32 @!p0 $0x88, s6;
	s7 =	simm.s32 @p2 $0x1082  }
0x22: {  	[simem:s7], [sflag:s8] =	dma.local @!p0 [hbm:s6], $0xF7A  }
0x23: {  	s9 =	sor.u32 $0xD0000000, s2;
	s6 =	simm.s32 $0x108;
	_ =	swait.ge @!p0 [sflag:s8], $0x0  }
0x24: {  	s3 =	sadd.s32 $0x88, s3;
	s6 =	simm.s32 @!p1 $0x1082;
	[sflag:s4] =	ssyncset.s32 $0xFFFFF086  }
0x25: {  	[simem:s6], [sflag:s4] =	dma.local [hbm:s3], $0xF7A  }
0x26: {  	[smem:$0x3F9F] =	sst s1;
	(tag) =	ssettag s2;
	_ =	strace s9  }
0x27: {  	s1 =	sld [smem:$0x3FAF]  }
0x28: {  	s2 =	sld [smem:$0x3FB0]  }
0x29: {  	s4 =	sld [smem:$0x3FB2]  }
0x2a: {  	p0 =	seq.s32 s5, $0x0;
	s5 =	sld [smem:$0x3FB3]  }
0x2b: {  	s6 =	sld [smem:$0x3FB4]  }
0x2c: {  	s7 =	sld [smem:$0x3FB5]  }
0x2d: {  	s3 =	simm.s32 $0x108;
	s8 =	sld [smem:$0x3FB6]  }
0x2e: {  	s3 =	simm.s32 @!p0 $0x1082;
	s9 =	sld [smem:$0x3FB7]  }
0x2f: {  	lr =	sadd.s32 s0, s3;
	s0 =	sld [smem:$0x3FAE]  }
0x30: {  	s3 =	sld [smem:$0x3FB1]  }
0x31: {  	[smem:$0x3FBA] =	sst s10  }
0x32: {  	s10 =	sld [smem:$0x3FB8];
	_ =	sdelay $0x3  }
0x33: {  	p0 =	seq.s32 s10, $0x1;
	s10 =	sld [smem:$0x3FBA];
	_ =	sdelay $0x3  }
0x34: {  	[smem:$0x3FBA] =	sst s10  }
0x35: {  	s10 =	sld [smem:$0x3FB9];
	_ =	sdelay $0x3  }
0x36: {  	p1 =	seq.s32 s10, $0x1;
	s10 =	sld [smem:$0x3FBA];
	_ =	sdelay $0x3  }
0x37: {  	[smem:$0x3FBA] =	sst s10  }
0x38: {  	s10 =	sld [smem:$0x3FBB]  }
0x39: {  	_ = 	snop;
	(pc) =	sbr.ind lr, $3  }
0x3a: {  	_ = 	snop  }
0x3b: {  	_ = 	snop  }
0x3c: {  	p2 =	seq.s32 s10, $0x1;
	s10 =	sld [smem:$0x3FBA]  }
0x3d: {  	_ =	shalt  }
0x3e: {  	_ =	shalt  }
0x3f: {  	_ =	shalt  }
0x40: {  	_ =	shalt  }
0x41: {  	_ =	shalt  }
0x42: {  	_ =	shalt  }
0x43: {  	_ =	shalt  }
0x44: {  	_ =	shalt  }
0x45: {  	_ =	shalt  }
0x46: {  	_ =	shalt  }
0x47: {  	_ =	shalt  }
0x48: {  	_ =	shalt  }
0x49: {  	_ =	shalt  }
0x4a: {  	_ =	shalt  }
0x4b: {  	_ =	shalt  }
0x4c: {  	_ =	shalt  }
0x4d: {  	_ =	shalt  }
0x4e: {  	_ =	shalt  }
0x4f: {  	_ =	shalt  }
0x50: {  	_ =	shalt  }
0x51: {  	_ =	shalt  }
0x52: {  	_ =	shalt  }
0x53: {  	_ =	shalt  }
0x54: {  	_ =	shalt  }
0x55: {  	_ =	shalt  }
0x56: {  	_ =	shalt  }
0x57: {  	_ =	shalt  }
0x58: {  	_ =	shalt  }
0x59: {  	_ =	shalt  }
0x5a: {  	_ =	shalt  }
0x5b: {  	_ =	shalt  }
0x5c: {  	_ =	shalt  }
0x5d: {  	_ =	shalt  }
0x5e: {  	_ =	shalt  }
0x5f: {  	_ =	shalt  }
0x60: {  	_ =	shalt  }
0x61: {  	_ =	shalt  }
0x62: {  	_ =	shalt  }
0x63: {  	_ =	shalt  }
0x64: {  	_ =	shalt  }
0x65: {  	_ =	shalt  }
0x66: {  	_ =	shalt  }
0x67: {  	_ =	shalt  }
0x68: {  	_ =	shalt  }
0x69: {  	_ =	shalt  }
0x6a: {  	_ =	shalt  }
0x6b: {  	_ =	shalt  }
0x6c: {  	_ =	shalt  }
0x6d: {  	_ =	shalt  }
0x6e: {  	_ =	shalt  }
0x6f: {  	_ =	shalt  }
0x70: {  	_ =	shalt  }
0x71: {  	_ =	shalt  }
0x72: {  	_ =	shalt  }
0x73: {  	_ =	shalt  }
0x74: {  	_ =	shalt  }
0x75: {  	_ =	shalt  }
0x76: {  	_ =	shalt  }
0x77: {  	_ =	shalt  }
0x78: {  	_ =	shalt  }
0x79: {  	_ =	shalt  }
0x7a: {  	_ =	shalt  }
0x7b: {  	_ =	shalt  }
0x7c: {  	_ =	shalt  }
0x7d: {  	_ =	shalt  }
0x7e: {  	_ =	shalt  }
0x7f: {  	_ =	shalt  }
0x80: {  	_ =	shalt  }
0x81: {  	_ =	shalt  }
0x82: {  	_ =	shalt  }
0x83: {  	_ =	shalt  }
0x84: {  	_ =	shalt  }
0x85: {  	_ =	shalt  }
0x86: {  	_ =	shalt  }
0x87: {  	_ =	shalt  }
.Lfunc_end0:
.L_simem_size_0:
called_computation_lowered:
.L_overlay_start_0:
0x88: {  	s2 =	sld [smem:$0x3FD9]  }
0x89: {  	s3 =	sld [smem:$0x3FFE];
	_ =	sdelay $0x1  }
0x8a: {  	s1 =	srdreg.scid  }
0x8b: {  	s0 =	sand.u32 $0x1, s1  }
0x8c: {  	s18 =	sshll.u32 s0, $0xA;
	s2 =	sadd.s32 s3, s2  }
0x8d: {  	s2 =	sadd.s32 s2, s18  }
0x8e: {  	[smem:$0x3FC6] =	sst s2  }
0x8f: {  	_ = 	snop  }
0x90: {  	s2 =	sld [smem:$0x3FC9]  }
0x91: {  	s19 =	sld [smem:$0x3FC8]  }
0x92: {  	s4 =	sld [smem:$0x3FD0];
	(tm) =	ssettm $0x1  }
0x93: {  	s5 =	sld [smem:$0x3FFB];
	_ =	sdelay $0x3  }
0x94: {  	_ =	strace s5  }
0x95: {  	s5 =	sld [smem:$0x3FFC];
	_ =	sdelay $0x3  }
0x96: {  	_ =	strace s5  }
0x97: {  	s5 =	sld [smem:$0x3FFD];
	_ =	sdelay $0x3  }
0x98: {  	_ =	strace s5  }
0x99: {  	_ =	strace $0x8FFFFFFF  }
0x9a: {  	s20 =	sld [smem:$0x3FDB];
	_ =	sdelay $0x1  }
0x9b: {  	s6 =	simm.s32 $_scs_section_size  }
0x9c: {  	s7 =	simm.s32 $_size__tile_overlayer_lowered;
	s8 =	simm.s32 $_tile_overlayer_lowered  }
0x9d: {  	s23 =	simm.s32 $0x1BFF;
	s22 =	sshll.u32 s8, $0x1;
	s5 =	sadd.s32 s6, s20  }
0x9e: {  	s9 =	simm.s32 $0x0;
	s21 =	sshll.u32 s7, $0x1;
	s7 =	sadd.s32 s22, s5  }
0x9f: {  	[timem:s9], [sflag:s23] =	dma.local [hbm:s7], s21  }
0xa0: {  	_ =	swait.ge [sflag:s23], s21  }
0xa1: {  	s6 =	ssub.s32 $0x0, s21;
	[sflag:s23] =	ssyncset.done $0x0  }
0xa2: {  	[sflag:s23] =	ssyncadd.s32 s6;
	_ =	sdelay $0x1  }
0xa3: {  	s24 =	simm.s32 $0x1B8B  }
0xa4: {  	_ =	swait.ge [sflag:s24], $0x1  }
0xa5: {  	[sflag:s24] =	ssyncset.done $0x0  }
0xa6: {  	s25 =	simm.s32 $0x1B8E;
	[sflag:s24] =	ssyncadd.s32 $0xFFFFFFFF  }
0xa7: {  	s26 =	simm.s32 $execute0_lowered;
	[smem:$0x3FD2] =	sst s25  }
0xa8: {  	s6 =	sshll.u32 s26, $0x1;
	_ =	strace $0x80000046;
	[dreg:$0x1] =	wrdreg $0xFFFFFFFF  }
0xa9: {  	s28 =	simm.s32 $_size_execute0_lowered;
	s5 =	sadd.s32 s5, s6;
	[dreg:$0x0] =	wrdreg $0x0  }
0xaa: {  	s6 =	sshll.u32 s28, $0x1;
	[dreg:$0x2] =	wrdreg s5  }
0xab: {  	[dreg:$0x3] =	wrdreg s6  }
0xac: {  	[dreg:$0x4] =	wrdreg $0xC0  }
0xad: {  	_ =	task [dreg:s9], $0x5FFFF  }
0xae: {  	[dreg:$0x1] =	wrdreg $0xFFFFFFFF  }
0xaf: {  	[dreg:$0x0] =	wrdreg $0x60  }
0xb0: {  	[dreg:$0x2] =	wrdreg s2  }
0xb1: {  	[dreg:$0x3] =	wrdreg s19  }
0xb2: {  	[dreg:$0x4] =	wrdreg s4  }
0xb3: {  	[dreg:$0x5] =	wrdreg $0x102000  }
0xb4: {  	[dreg:$0x6] =	wrdreg $0x9  }
0xb5: {  	_ =	task.clear_ibuf [dreg:s9], $0x7FFFF;
	_ =	strace $0x90000046  }
0xb6: {  	s29 =	simm.s32 $0x9;
	_ =	strace $0x80000048  }
0xb7: {  	_ =	swait.ge [sflag:s29], $0x1  }
0xb8: {  	[sflag:s29] =	ssyncadd.s32 $0xFFFFFFFF  }
0xb9: {  	_ =	strace $0x90000048  }
0xba: {  	_ =	sfence  }
0xbb: {  	s30 =	sld [smem:$0x0];
	_ =	sdelay $0x2  }
0xbc: {  	s31 =	sshll.u32 s1, $0xD;
	s1 =	sshrl.u32 s1, $0x2  }
0xbd: {  	s3 =	sand.u32 $0x4000, s31;
	s1 =	sadd.s32 s1, s30  }
0xbe: {  	s0 =	sor.u32 s3, s0;
	s1 =	sshll.u32 s1, $0x11  }
0xbf: {  	s0 =	sor.u32 s1, s0  }
0xc0: {  	s0 =	sadd.s32 $0x8F2B, s0  }
0xc1: {  	[sflag:s0] =	ssyncadd.remote.s32 $0x1  }
0xc2: {  	_ =	sfence.sel $0xFFFF  }
0xc3: {  	[dreg:$0x0] =	wrdreg $0xFFFFFFFF;
	(pc) =	sbr.abs _section_cstart, $3  }
0xc4: {  	[dreg:$0x1] =	wrdreg $0xFFFFFFFF  }
0xc5: {  	_ =	task.clear_ibuf [dreg:s9], $0x2FFFF;
	_ =	strace $0x9FFFFFFF  }
0xc6: {  	(tm) =	ssettm $0x7FFFFFFF  }
0xc7: {  	_ =	shalt  }
tec
execute0_lowered:
.L_overlay_start_1:
0x0: {  	(tag) =	ssettag $0x1  }
0x1: {  	s4 =	rddreg [dreg:$0x0]  }
0x2: {  	s0 =	rddreg [dreg:$0x1];
	s1 =	srdreg.scid  }
0x3: {  	s18 =	rddreg [dreg:$0x2];
	s5 =	stileid.u32  }
0x4: {  	s2 =	rddreg [dreg:$0x3];
	s3 =	simm.s32 $0x0;
	s22 =	sand.u32 $0x1, s1  }
0x5: {  	s6 =	sshll.u32 s5, $0xA;
	s1 =	rddreg [dreg:$0x4];
	s7 =	sshll.u32 s22, $0x9  }
0x6: {  	[smem:$0x7FF] =	sst s3;
	p0 =	sne.s32 s5, $0x0;
	s19 =	sor.u32 s7, s6  }
0x7: {  	_ =	strace $0x80000047;
	s5 =	sshrl.u32 @!p0 s2, $0x3;
	s6 =	sshrl.u32 s19, $0x3  }
0x8: {  	s7 =	simm.s32 @!p0 $0x3;
	s4 =	sadd.s32 s4, s6;
	s6 =	simm.s32 @!p0 $0x1C03  }
0x9: {  	[tilespmem:s3], [sflag:$0x2] =	stream.linear.gather [hbm4b:s4+s3], $0x200, $0x38;
	[tilespmem:$0x12140] =	vst v63  }
0xa: {  	[spmem:s5], [sflag:s6] =	dma.local @!p0 [hbm:s0], $0x3E80  }
0xb: {  	_ =	swait.ge @!p0 [sflag:s7], $0x3E80  }
0xc: {  	[sflag:s7] =	ssyncset.done @!p0 $0x0  }
0xd: {  	[sflag:s7] =	ssyncadd.s32 @!p0 $0xFFFFC180  }
0xe: {  	s8 =	simm.s32 $0x2;
	[bflag:$0x0] =	sbarrier.arrive $0xFFFF  }
0xf: {  	_ =	swait.ge [sflag:s8], $0x200  }
0x10: {  	[sflag:s8] =	ssyncset.done $0x0  }
0x11: {  	s9 =	simm.s32 $0x20;
	s10 =	simm.s32 $0x200;
	[sflag:s8] =	ssyncadd.s32 $0xFFFFFE00  }
0x12: {  	[tilespmem:s10], [sflag:$0x1] =	stream.indirect.gather [spmem:s2], $0x80, s3, s9, $0xb8;
	[tilespmem:$0x12140] =	vst v63  }
0x13: {  	s11 =	simm.s32 $0xA0;
	s12 =	simm.s32 $0x1200  }
0x14: {  	[tilespmem:s12], [sflag:$0x1] =	stream.indirect.gather [spmem:s2], $0x80, s9, s11, $0xb8;
	[tilespmem:$0x12140] =	vst v63  }
0x15: {  	s13 =	simm.s32 $0xC0;
	s14 =	simm.s32 $0x6200  }
0x16: {  	[tilespmem:s14], [sflag:$0x1] =	stream.indirect.gather [spmem:s2], $0x80, s13, s11, $0xb8;
	[tilespmem:$0x12140] =	vst v63  }
0x17: {  	s15 =	simm.s32 $0x160;
	s16 =	simm.s32 $0xB200;
	s17 =	simm.s32 $0x1  }
0x18: {  	[tilespmem:s16], [sflag:$0x1] =	stream.indirect.gather [spmem:s2], $0x80, s15, s11, $0xb8;
	[tilespmem:$0x12140] =	vst v63  }
0x19: {  	_ =	swait.ge [sflag:s17], $0x1000  }
0x1a: {  	s19 =	sshll.u32 s19, $0x4;
	[sflag:s17] =	ssyncset.done $0x0  }
0x1b: {  	s18 =	sadd.s32 s18, s19;
	[sflag:s17] =	ssyncadd.s32 $0xFFFFF000  }
0x1c: {  	[hbm4b:s18+s3] =	stream.linear.scatter [tilespmem:s10], [sflag:$0x2], $0x1000, $0x38;
	[tilespmem:$0x12140] =	vst v63  }
0x1d: {  	_ =	swait.ge [sflag:s17], $0x5000  }
0x1e: {  	[sflag:s17] =	ssyncset.done $0x0  }
0x1f: {  	s19 =	sadd.s32 $0x200, s18;
	[sflag:s17] =	ssyncadd.s32 $0xFFFFB000  }
0x20: {  	[hbm4b:s19+s3] =	stream.linear.scatter [tilespmem:s12], [sflag:$0x2], $0x5000, $0x38;
	[tilespmem:$0x12140] =	vst v63  }
0x21: {  	_ =	swait.ge [sflag:s17], $0x5000  }
0x22: {  	[sflag:s17] =	ssyncset.done $0x0  }
0x23: {  	s20 =	sadd.s32 $0xC00, s18;
	[sflag:s17] =	ssyncadd.s32 $0xFFFFB000  }
0x24: {  	[hbm4b:s20+s3] =	stream.linear.scatter [tilespmem:s14], [sflag:$0x2], $0x5000, $0x38;
	[tilespmem:$0x12140] =	vst v63  }
0x25: {  	_ =	swait.ge [sflag:s17], $0x5000  }
0x26: {  	[sflag:s17] =	ssyncset.done $0x0  }
0x27: {  	s21 =	sadd.s32 $0x1600, s18;
	[sflag:s17] =	ssyncadd.s32 $0xFFFFB000  }
0x28: {  	[hbm4b:s21+s3] =	stream.linear.scatter [tilespmem:s16], [sflag:$0x2], $0x5000, $0x38;
	[tilespmem:$0x12140] =	vst v63  }
0x29: {  	s22 =	ssub.s32 $0x2, s22;
	_ =	swait.ge [sflag:s8], $0x1000  }
0x2a: {  	s23 =	sshrl.u32 s22, $0x1;
	[sflag:s8] =	ssyncset.done $0x0  }
0x2b: {  	s22 =	ssub.s32 s22, s23;
	[sflag:s8] =	ssyncadd.s32 $0xFFFFF000  }
0x2c: {  	s22 =	smax.u32 s22, $0x1;
	_ =	swait.ge [sflag:s8], $0x5000  }
0x2d: {  	s22 =	sadd.s32 $0xFFFFFFFF, s22;
	[sflag:s8] =	ssyncset.done $0x0  }
0x2e: {  	p1 =	sne.s32 s22, $0x0;
	[sflag:s8] =	ssyncadd.s32 $0xFFFFB000  }
.Ltmp0:
0x2f: {  	_ =	swait.ge [sflag:s8], $0x5000;
	(pc) =	sbr.rel @!p1 .LBB2_2-.Ltmp0, $4  }
0x30: {  	[sflag:s8] =	ssyncset.done $0x0  }
0x31: {  	[sflag:s8] =	ssyncadd.s32 $0xFFFFB000  }
0x32: {  	_ =	swait.ge [sflag:s8], $0x5000  }
0x33: {  	[sflag:s8] =	ssyncset.done $0x0  }
.LBB2_1:
0x34: {  	[sflag:s8] =	ssyncadd.s32 $0xFFFFB000  }
0x35: {  	[tilespmem:s3], [sflag:$0x2] =	stream.linear.gather [hbm4b:s4+s3], $0x200, $0x38;
	[tilespmem:$0x12140] =	vst v63  }
0x36: {  	[spmem:s5], [sflag:s6] =	dma.local @!p0 [hbm:s0], $0x3E80  }
0x37: {  	s22 =	sadd.s32 $0xFFFFFFFF, s22;
	_ =	swait.ge @!p0 [sflag:s7], $0x3E80  }
0x38: {  	p1 =	sne.s32 s22, $0x0;
	[sflag:s7] =	ssyncset.done @!p0 $0x0  }
0x39: {  	[sflag:s7] =	ssyncadd.s32 @!p0 $0xFFFFC180  }
0x3a: {  	[bflag:$0x0] =	sbarrier.arrive $0xFFFF  }
0x3b: {  	_ =	swait.ge [sflag:s8], $0x200  }
0x3c: {  	[sflag:s8] =	ssyncset.done $0x0  }
0x3d: {  	[sflag:s8] =	ssyncadd.s32 $0xFFFFFE00  }
0x3e: {  	[tilespmem:s10], [sflag:$0x1] =	stream.indirect.gather [spmem:s2], $0x80, s3, s9, $0xb8;
	[tilespmem:$0x12140] =	vst v63  }
0x3f: {  	_ = 	snop  }
0x40: {  	[tilespmem:s12], [sflag:$0x1] =	stream.indirect.gather [spmem:s2], $0x80, s9, s11, $0xb8;
	[tilespmem:$0x12140] =	vst v63  }
0x41: {  	_ = 	snop  }
0x42: {  	[tilespmem:s14], [sflag:$0x1] =	stream.indirect.gather [spmem:s2], $0x80, s13, s11, $0xb8;
	[tilespmem:$0x12140] =	vst v63  }
0x43: {  	_ = 	snop  }
0x44: {  	[tilespmem:s16], [sflag:$0x1] =	stream.indirect.gather [spmem:s2], $0x80, s15, s11, $0xb8;
	[tilespmem:$0x12140] =	vst v63  }
0x45: {  	_ =	swait.ge [sflag:s17], $0x1000  }
0x46: {  	[sflag:s17] =	ssyncset.done $0x0  }
0x47: {  	[sflag:s17] =	ssyncadd.s32 $0xFFFFF000  }
0x48: {  	[hbm4b:s18+s3] =	stream.linear.scatter [tilespmem:s10], [sflag:$0x2], $0x1000, $0x38;
	[tilespmem:$0x12140] =	vst v63  }
0x49: {  	_ =	swait.ge [sflag:s17], $0x5000  }
0x4a: {  	[sflag:s17] =	ssyncset.done $0x0  }
0x4b: {  	[sflag:s17] =	ssyncadd.s32 $0xFFFFB000  }
0x4c: {  	[hbm4b:s19+s3] =	stream.linear.scatter [tilespmem:s12], [sflag:$0x2], $0x5000, $0x38;
	[tilespmem:$0x12140] =	vst v63  }
0x4d: {  	_ =	swait.ge [sflag:s17], $0x5000  }
0x4e: {  	[sflag:s17] =	ssyncset.done $0x0  }
0x4f: {  	[sflag:s17] =	ssyncadd.s32 $0xFFFFB000  }
0x50: {  	[hbm4b:s20+s3] =	stream.linear.scatter [tilespmem:s14], [sflag:$0x2], $0x5000, $0x38;
	[tilespmem:$0x12140] =	vst v63  }
0x51: {  	_ =	swait.ge [sflag:s17], $0x5000  }
0x52: {  	[sflag:s17] =	ssyncset.done $0x0  }
0x53: {  	[sflag:s17] =	ssyncadd.s32 $0xFFFFB000  }
0x54: {  	[hbm4b:s21+s3] =	stream.linear.scatter [tilespmem:s16], [sflag:$0x2], $0x5000, $0x38;
	[tilespmem:$0x12140] =	vst v63  }
0x55: {  	_ =	swait.ge [sflag:s8], $0x1000  }
0x56: {  	[sflag:s8] =	ssyncset.done $0x0  }
0x57: {  	[sflag:s8] =	ssyncadd.s32 $0xFFFFF000  }
0x58: {  	_ =	swait.ge [sflag:s8], $0x5000  }
0x59: {  	[sflag:s8] =	ssyncset.done $0x0  }
0x5a: {  	[sflag:s8] =	ssyncadd.s32 $0xFFFFB000  }
.Ltmp1:
0x5b: {  	_ =	swait.ge [sflag:s8], $0x5000;
	(pc) =	sbr.rel @p1 .LBB2_1-.Ltmp1, $4  }
0x5c: {  	[sflag:s8] =	ssyncset.done $0x0  }
0x5d: {  	[sflag:s8] =	ssyncadd.s32 $0xFFFFB000  }
0x5e: {  	_ =	swait.ge [sflag:s8], $0x5000  }
0x5f: {  	[sflag:s8] =	ssyncset.done $0x0  }
.LBB2_2:
0x60: {  	[sflag:s8] =	ssyncadd.s32 $0xFFFFB000  }
0x61: {  	_ =	sfence.sel $0x180000  }
0x62: {  	[bflag:$0x0] =	sbarrier.arrive $0xFFFF  }
0x63: {  	_ =	strace $0x90000047  }
0x64: {  	s0 =	sadd.s32 @!p0 $0x100000, s1;
	[bflag:$0x2] =	sbarrier.arrive $0xFFFF  }
0x65: {  	[sflag:s0] =	ssyncadd.tile.s32 @!p0 $0x1;
	_ =	shalt  }
.Lfunc_end2:
_tile_overlayer_lowered:
.L_overlay_start_2:
0x66: {  	(tag) =	ssettag $0x2  }
0x67: {  	s0 =	rddreg [dreg:$0x0];
	s2 =	stileid.u32  }
0x68: {  	s1 =	rddreg [dreg:$0x1];
	p0 =	sne.s32 s2, $0x0  }
0x69: {  	s3 =	rddreg [dreg:$0x2];
	[bflag:$0x3] =	sbarrier.arrive $0xFFFF;
	s2 =	simm.s32 @!p0 $0x1C03  }
0x6a: {  	[timem:s3], [sflag:s2] =	dma.local @!p0 [hbm:s0], s1  }
0x6b: {  	s0 =	simm.s32 @!p0 $0x3  }
0x6c: {  	_ =	swait.ge @!p0 [sflag:s0], s1  }
0x6d: {  	s1 =	ssub.s32 @!p0 $0x0, s1;
	[sflag:s0] =	ssyncset.done @!p0 $0x0  }
0x6e: {  	[sflag:s0] =	ssyncadd.s32 @!p0 s1  }
0x6f: {  	[bflag:$0x3] =	sbarrier.arrive $0xFFFF  }
0x70: {  	_ =	shalt  }

</sc_bundles>
